<compile_context>
chip_gen: v7x
topology: tpu7x:2x2x1
jax: 0.10.2.dev20260603
libtpu: 0.0.44.dev20260713+nightly
codegen_flags: <defaults>
</compile_context>

<pallas_src>
import jax
import jax.numpy as jnp
from jax.experimental import pallas as pl
from jax.experimental.pallas import tpu as pltpu

B = 1024
LAT = 64
HW = 256
ACTIONS = 64
POL_CH = 2
OPAD = 8
HW_PER = 8
NL = HW_PER * B
GRID = HW // HW_PER


def _body(x_ref, wc8_ref, bc8_ref, w8_ref, bfc_ref, out_ref):
    i = pl.program_id(0)

    @pl.when(i == 0)
    def _init():
        out_ref[...] = jnp.broadcast_to(bfc_ref[...], (ACTIONS, B))

    xb = x_ref[...]
    hb = jnp.dot(wc8_ref[...], xb, preferred_element_type=jnp.float32)
    hb = jnp.maximum(hb + bc8_ref[...], 0.0)
    acc = jnp.zeros((ACTIONS, B), dtype=jnp.float32)
    for j in range(HW_PER):
        acc += jnp.dot(
            w8_ref[j],
            hb[:, j * B:(j + 1) * B],
            preferred_element_type=jnp.float32,
        )
    out_ref[...] += acc


def kernel(x, W_conv, b_conv, W_fc, b_fc):
    xt = x.transpose(1, 2, 3, 0).reshape(LAT, HW * B)

    wc8 = jnp.zeros((OPAD, LAT), jnp.float32).at[:POL_CH].set(W_conv)
    bc8 = jnp.zeros((OPAD, 1), jnp.float32).at[:POL_CH, 0].set(b_conv)
    wfc3 = W_fc.reshape(ACTIONS, POL_CH, HW).transpose(2, 0, 1)
    w8 = jnp.zeros((HW, ACTIONS, OPAD), jnp.float32).at[:, :, :POL_CH].set(wfc3)
    bfc_col = b_fc[:, None]

    out = pl.pallas_call(
        _body,
        grid=(GRID,),
        in_specs=[
            pl.BlockSpec((LAT, NL), lambda i: (0, i)),
            pl.BlockSpec((OPAD, LAT), lambda i: (0, 0)),
            pl.BlockSpec((OPAD, 1), lambda i: (0, 0)),
            pl.BlockSpec((HW_PER, ACTIONS, OPAD), lambda i: (i, 0, 0)),
            pl.BlockSpec((ACTIONS, 1), lambda i: (0, 0)),
        ],
        out_specs=pl.BlockSpec((ACTIONS, B), lambda i: (0, 0)),
        out_shape=jax.ShapeDtypeStruct((ACTIONS, B), jnp.float32),
        compiler_params=pltpu.CompilerParams(
            dimension_semantics=("arbitrary",),
        ),
    )(xt, wc8, bc8, w8, bfc_col)
    return out.T

# --- scband reference (transcript-rebuilt; emitter-appended) ---
"""Pipeline reference for scband-main-model-69758858822072 (READ-ONLY COPY).

The authoritative reference and input builder live on the scoring server;
editing this copy changes nothing except your own understanding.
"""

import jax, jax.numpy as jnp
import numpy as np

B = 1024
LAT = 64
DIM1 = 16
DIM2 = 16
ACTIONS = 64
POL_CH = 2


def setup_inputs(seed: int = 0) -> dict:
    key = jax.random.key(seed)
    k_x, k_wc, k_wf = jax.random.split(key, 3)
    x = jax.random.normal(k_x, (B, LAT, DIM1, DIM2), dtype=jnp.float32)
    # AlphaZero-style policy head params: 1x1 conv (LAT -> POL_CH), then FC to ACTIONS
    W_conv = jax.random.normal(k_wc, (POL_CH, LAT), dtype=jnp.float32) * 0.05
    b_conv = jnp.zeros((POL_CH,), dtype=jnp.float32)
    W_fc = jax.random.normal(k_wf, (ACTIONS, POL_CH * DIM1 * DIM2), dtype=jnp.float32) * 0.02
    b_fc = jnp.zeros((ACTIONS,), dtype=jnp.float32)
    return {"x": x, "W_conv": W_conv, "b_conv": b_conv, "W_fc": W_fc, "b_fc": b_fc}


def reference(x, W_conv, b_conv, W_fc, b_fc):
    # MainModel.forward(x) -> self.policy(x)
    # Policy head: 1x1 conv over latent channels, ReLU, flatten, linear -> action logits
    h = jnp.einsum('bchw,oc->bohw', x, W_conv) + b_conv[None, :, None, None]
    h = jax.nn.relu(h)
    flat = h.reshape(h.shape[0], -1)
    logits = flat @ W_fc.T + b_fc
    return logits

if __name__ == "__main__":
    import jax
    _d = setup_inputs()
    print(jax.jit(kernel)(*tuple(_d.values())))

</pallas_src>

<mosaic_0001>
module attributes {stable_mosaic.version = 14 : i64} {
  func.func @_body(%arg0: i32, %arg1: memref<64x8192xf32, #tpu.memory_space<vmem>>, %arg2: memref<8x64xf32, #tpu.memory_space<vmem>>, %arg3: memref<8x1xf32, #tpu.memory_space<vmem>>, %arg4: memref<8x64x8xf32, #tpu.memory_space<vmem>>, %arg5: memref<64x1xf32, #tpu.memory_space<vmem>>, %arg6: memref<64x1024xf32, #tpu.memory_space<vmem>>) attributes {dimension_semantics = [#tpu.dimension_semantics<arbitrary>], iteration_bounds = array<i64: 32>, scalar_prefetch = 0 : i64, scratch_operands = 0 : i64, tpu.core_type = #tpu.core_type<tc>, window_params = [{transform_indices = @transform_0, window_bounds = array<i64: 64, 8192>}, {pipeline_mode = #tpu.pipeline_mode<synchronous>, transform_indices = @transform_1, window_bounds = array<i64: 8, 64>}, {pipeline_mode = #tpu.pipeline_mode<synchronous>, transform_indices = @transform_2, window_bounds = array<i64: 8, 1>}, {transform_indices = @transform_3, window_bounds = array<i64: 8, 64, 8>}, {pipeline_mode = #tpu.pipeline_mode<synchronous>, transform_indices = @transform_4, window_bounds = array<i64: 64, 1>}, {pipeline_mode = #tpu.pipeline_mode<synchronous>, transform_indices = @transform_5, window_bounds = array<i64: 64, 1024>}]} {
    %eq3A = arith.constant 0 : i32
    %eq3A_0 = arith.cmpi eq, %arg0, %eq3A : i32
    %convert_element_type3A = arith.extui %eq3A_0 : i1 to i32
    %cond3A = arith.constant 0 : i32
    %cond3A_1 = arith.cmpi ne, %convert_element_type3A, %cond3A : i32
    scf.if %cond3A_1 {
      %get3A_92 = arith.constant 0 : index
      %get3A_93 = arith.constant 0 : index
      %get3A_94 = vector.load %arg5[%get3A_92, %get3A_93] : memref<64x1xf32, #tpu.memory_space<vmem>>, vector<64x1xf32>
      %broadcast_in_dim3A_95 = vector.shape_cast %get3A_94 : vector<64x1xf32> to vector<64x1xf32>
      %broadcast_in_dim3A_96 = vector.broadcast %broadcast_in_dim3A_95 : vector<64x1xf32> to vector<64x1024xf32>
      %swap3A_97 = arith.constant 0 : index
      %swap3A_98 = arith.constant 0 : index
      %swap3A_99 = vector.load %arg6[%swap3A_97, %swap3A_98] : memref<64x1024xf32, #tpu.memory_space<vmem>>, vector<64x1024xf32>
      tpu.vector_store %arg6[%swap3A_97, %swap3A_98], %broadcast_in_dim3A_96 {strides = array<i32>} : memref<64x1024xf32, #tpu.memory_space<vmem>>, vector<64x1024xf32>,
    } else {
    }
    %get3A = arith.constant 0 : index
    %get3A_2 = arith.constant 0 : index
    %get3A_3 = vector.load %arg1[%get3A, %get3A_2] : memref<64x8192xf32, #tpu.memory_space<vmem>>, vector<64x8192xf32>
    %get3A_4 = arith.constant 0 : index
    %get3A_5 = arith.constant 0 : index
    %get3A_6 = vector.load %arg2[%get3A_4, %get3A_5] : memref<8x64xf32, #tpu.memory_space<vmem>>, vector<8x64xf32>
    %dot_general3A = arith.constant dense<0.000000e+00> : vector<8x8192xf32>
    %dot_general3A_7 = tpu.matmul %get3A_6, %get3A_3, %dot_general3A {dimension_numbers = #tpu.dot_dimension_numbers<[1], [0], [0], [1], [0, 0, 1, 1], [], []>, transpose_lhs_hint = false} : vector<8x64xf32>, vector<64x8192xf32>, vector<8x8192xf32> -> vector<8x8192xf32>
    %get3A_8 = arith.constant 0 : index
    %get3A_9 = arith.constant 0 : index
    %get3A_10 = vector.load %arg3[%get3A_8, %get3A_9] : memref<8x1xf32, #tpu.memory_space<vmem>>, vector<8x1xf32>
    %add3A = vector.broadcast %get3A_10 : vector<8x1xf32> to vector<8x8192xf32>
    %add3A_11 = arith.addf %dot_general3A_7, %add3A : vector<8x8192xf32>
    %max3A = arith.constant 0.000000e+00 : f32
    %max3A_12 = vector.broadcast %max3A : f32 to vector<8x8192xf32>
    %max3A_13 = arith.maximumf %add3A_11, %max3A_12 : vector<8x8192xf32>
    %broadcast_in_dim3A = arith.constant 0.000000e+00 : f32
    %broadcast_in_dim3A_14 = vector.broadcast %broadcast_in_dim3A : f32 to vector<64x1024xf32>
    %get3A_15 = arith.constant 0 : index
    %get3A_16 = arith.constant 0 : index
    %get3A_17 = arith.constant 0 : index
    %get3A_18 = vector.load %arg4[%get3A_15, %get3A_16, %get3A_17] : memref<8x64x8xf32, #tpu.memory_space<vmem>>, vector<1x64x8xf32>
    %get3A_19 = vector.shape_cast %get3A_18 : vector<1x64x8xf32> to vector<64x8xf32>
    %slice3A = vector.extract_strided_slice %max3A_13 {offsets = [0, 0], sizes = [8, 1024], strides = [1, 1]} : vector<8x8192xf32> to vector<8x1024xf32>
    %dot_general3A_20 = arith.constant dense<0.000000e+00> : vector<64x1024xf32>
    %dot_general3A_21 = tpu.matmul %get3A_19, %slice3A, %dot_general3A_20 {dimension_numbers = #tpu.dot_dimension_numbers<[1], [0], [0], [1], [0, 0, 1, 1], [], []>, transpose_lhs_hint = false} : vector<64x8xf32>, vector<8x1024xf32>, vector<64x1024xf32> -> vector<64x1024xf32>
    %add3A_22 = arith.addf %broadcast_in_dim3A_14, %dot_general3A_21 : vector<64x1024xf32>
    %get3A_23 = arith.constant 1 : index
    %get3A_24 = arith.constant 0 : index
    %get3A_25 = arith.constant 0 : index
    %get3A_26 = vector.load %arg4[%get3A_23, %get3A_24, %get3A_25] : memref<8x64x8xf32, #tpu.memory_space<vmem>>, vector<1x64x8xf32>
    %get3A_27 = vector.shape_cast %get3A_26 : vector<1x64x8xf32> to vector<64x8xf32>
    %slice3A_28 = vector.extract_strided_slice %max3A_13 {offsets = [0, 1024], sizes = [8, 1024], strides = [1, 1]} : vector<8x8192xf32> to vector<8x1024xf32>
    %dot_general3A_29 = arith.constant dense<0.000000e+00> : vector<64x1024xf32>
    %dot_general3A_30 = tpu.matmul %get3A_27, %slice3A_28, %dot_general3A_29 {dimension_numbers = #tpu.dot_dimension_numbers<[1], [0], [0], [1], [0, 0, 1, 1], [], []>, transpose_lhs_hint = false} : vector<64x8xf32>, vector<8x1024xf32>, vector<64x1024xf32> -> vector<64x1024xf32>
    %add3A_31 = arith.addf %add3A_22, %dot_general3A_30 : vector<64x1024xf32>
    %get3A_32 = arith.constant 2 : index
    %get3A_33 = arith.constant 0 : index
    %get3A_34 = arith.constant 0 : index
    %get3A_35 = vector.load %arg4[%get3A_32, %get3A_33, %get3A_34] : memref<8x64x8xf32, #tpu.memory_space<vmem>>, vector<1x64x8xf32>
    %get3A_36 = vector.shape_cast %get3A_35 : vector<1x64x8xf32> to vector<64x8xf32>
    %slice3A_37 = vector.extract_strided_slice %max3A_13 {offsets = [0, 2048], sizes = [8, 1024], strides = [1, 1]} : vector<8x8192xf32> to vector<8x1024xf32>
    %dot_general3A_38 = arith.constant dense<0.000000e+00> : vector<64x1024xf32>
    %dot_general3A_39 = tpu.matmul %get3A_36, %slice3A_37, %dot_general3A_38 {dimension_numbers = #tpu.dot_dimension_numbers<[1], [0], [0], [1], [0, 0, 1, 1], [], []>, transpose_lhs_hint = false} : vector<64x8xf32>, vector<8x1024xf32>, vector<64x1024xf32> -> vector<64x1024xf32>
    %add3A_40 = arith.addf %add3A_31, %dot_general3A_39 : vector<64x1024xf32>
    %get3A_41 = arith.constant 3 : index
    %get3A_42 = arith.constant 0 : index
    %get3A_43 = arith.constant 0 : index
    %get3A_44 = vector.load %arg4[%get3A_41, %get3A_42, %get3A_43] : memref<8x64x8xf32, #tpu.memory_space<vmem>>, vector<1x64x8xf32>
    %get3A_45 = vector.shape_cast %get3A_44 : vector<1x64x8xf32> to vector<64x8xf32>
    %slice3A_46 = vector.extract_strided_slice %max3A_13 {offsets = [0, 3072], sizes = [8, 1024], strides = [1, 1]} : vector<8x8192xf32> to vector<8x1024xf32>
    %dot_general3A_47 = arith.constant dense<0.000000e+00> : vector<64x1024xf32>
    %dot_general3A_48 = tpu.matmul %get3A_45, %slice3A_46, %dot_general3A_47 {dimension_numbers = #tpu.dot_dimension_numbers<[1], [0], [0], [1], [0, 0, 1, 1], [], []>, transpose_lhs_hint = false} : vector<64x8xf32>, vector<8x1024xf32>, vector<64x1024xf32> -> vector<64x1024xf32>
    %add3A_49 = arith.addf %add3A_40, %dot_general3A_48 : vector<64x1024xf32>
    %get3A_50 = arith.constant 4 : index
    %get3A_51 = arith.constant 0 : index
    %get3A_52 = arith.constant 0 : index
    %get3A_53 = vector.load %arg4[%get3A_50, %get3A_51, %get3A_52] : memref<8x64x8xf32, #tpu.memory_space<vmem>>, vector<1x64x8xf32>
    %get3A_54 = vector.shape_cast %get3A_53 : vector<1x64x8xf32> to vector<64x8xf32>
    %slice3A_55 = vector.extract_strided_slice %max3A_13 {offsets = [0, 4096], sizes = [8, 1024], strides = [1, 1]} : vector<8x8192xf32> to vector<8x1024xf32>
    %dot_general3A_56 = arith.constant dense<0.000000e+00> : vector<64x1024xf32>
    %dot_general3A_57 = tpu.matmul %get3A_54, %slice3A_55, %dot_general3A_56 {dimension_numbers = #tpu.dot_dimension_numbers<[1], [0], [0], [1], [0, 0, 1, 1], [], []>, transpose_lhs_hint = false} : vector<64x8xf32>, vector<8x1024xf32>, vector<64x1024xf32> -> vector<64x1024xf32>
    %add3A_58 = arith.addf %add3A_49, %dot_general3A_57 : vector<64x1024xf32>
    %get3A_59 = arith.constant 5 : index
    %get3A_60 = arith.constant 0 : index
    %get3A_61 = arith.constant 0 : index
    %get3A_62 = vector.load %arg4[%get3A_59, %get3A_60, %get3A_61] : memref<8x64x8xf32, #tpu.memory_space<vmem>>, vector<1x64x8xf32>
    %get3A_63 = vector.shape_cast %get3A_62 : vector<1x64x8xf32> to vector<64x8xf32>
    %slice3A_64 = vector.extract_strided_slice %max3A_13 {offsets = [0, 5120], sizes = [8, 1024], strides = [1, 1]} : vector<8x8192xf32> to vector<8x1024xf32>
    %dot_general3A_65 = arith.constant dense<0.000000e+00> : vector<64x1024xf32>
    %dot_general3A_66 = tpu.matmul %get3A_63, %slice3A_64, %dot_general3A_65 {dimension_numbers = #tpu.dot_dimension_numbers<[1], [0], [0], [1], [0, 0, 1, 1], [], []>, transpose_lhs_hint = false} : vector<64x8xf32>, vector<8x1024xf32>, vector<64x1024xf32> -> vector<64x1024xf32>
    %add3A_67 = arith.addf %add3A_58, %dot_general3A_66 : vector<64x1024xf32>
    %get3A_68 = arith.constant 6 : index
    %get3A_69 = arith.constant 0 : index
    %get3A_70 = arith.constant 0 : index
    %get3A_71 = vector.load %arg4[%get3A_68, %get3A_69, %get3A_70] : memref<8x64x8xf32, #tpu.memory_space<vmem>>, vector<1x64x8xf32>
    %get3A_72 = vector.shape_cast %get3A_71 : vector<1x64x8xf32> to vector<64x8xf32>
    %slice3A_73 = vector.extract_strided_slice %max3A_13 {offsets = [0, 6144], sizes = [8, 1024], strides = [1, 1]} : vector<8x8192xf32> to vector<8x1024xf32>
    %dot_general3A_74 = arith.constant dense<0.000000e+00> : vector<64x1024xf32>
    %dot_general3A_75 = tpu.matmul %get3A_72, %slice3A_73, %dot_general3A_74 {dimension_numbers = #tpu.dot_dimension_numbers<[1], [0], [0], [1], [0, 0, 1, 1], [], []>, transpose_lhs_hint = false} : vector<64x8xf32>, vector<8x1024xf32>, vector<64x1024xf32> -> vector<64x1024xf32>
    %add3A_76 = arith.addf %add3A_67, %dot_general3A_75 : vector<64x1024xf32>
    %get3A_77 = arith.constant 7 : index
    %get3A_78 = arith.constant 0 : index
    %get3A_79 = arith.constant 0 : index
    %get3A_80 = vector.load %arg4[%get3A_77, %get3A_78, %get3A_79] : memref<8x64x8xf32, #tpu.memory_space<vmem>>, vector<1x64x8xf32>
    %get3A_81 = vector.shape_cast %get3A_80 : vector<1x64x8xf32> to vector<64x8xf32>
    %slice3A_82 = vector.extract_strided_slice %max3A_13 {offsets = [0, 7168], sizes = [8, 1024], strides = [1, 1]} : vector<8x8192xf32> to vector<8x1024xf32>
    %dot_general3A_83 = arith.constant dense<0.000000e+00> : vector<64x1024xf32>
    %dot_general3A_84 = tpu.matmul %get3A_81, %slice3A_82, %dot_general3A_83 {dimension_numbers = #tpu.dot_dimension_numbers<[1], [0], [0], [1], [0, 0, 1, 1], [], []>, transpose_lhs_hint = false} : vector<64x8xf32>, vector<8x1024xf32>, vector<64x1024xf32> -> vector<64x1024xf32>
    %add3A_85 = arith.addf %add3A_76, %dot_general3A_84 : vector<64x1024xf32>
    %get3A_86 = arith.constant 0 : index
    %get3A_87 = arith.constant 0 : index
    %get3A_88 = vector.load %arg6[%get3A_86, %get3A_87] : memref<64x1024xf32, #tpu.memory_space<vmem>>, vector<64x1024xf32>
    %add3A_89 = arith.addf %get3A_88, %add3A_85 : vector<64x1024xf32>
    %swap3A = arith.constant 0 : index
    %swap3A_90 = arith.constant 0 : index
    %swap3A_91 = vector.load %arg6[%swap3A, %swap3A_90] : memref<64x1024xf32, #tpu.memory_space<vmem>>, vector<64x1024xf32>
    tpu.vector_store %arg6[%swap3A, %swap3A_90], %add3A_89 {strides = array<i32>} : memref<64x1024xf32, #tpu.memory_space<vmem>>, vector<64x1024xf32>,
    return
  }
  func.func @transform_0(%arg0: i32) -> (i32, i32) {
    %c0_i32 = arith.constant 0 : i32
    %c0_i32_0 = arith.constant 0 : i32
    return %c0_i32, %arg0 : i32, i32
  }
  func.func @transform_1(%arg0: i32) -> (i32, i32) {
    %c0_i32 = arith.constant 0 : i32
    %c0_i32_0 = arith.constant 0 : i32
    %c0_i32_1 = arith.constant 0 : i32
    return %c0_i32, %c0_i32_0 : i32, i32
  }
  func.func @transform_2(%arg0: i32) -> (i32, i32) {
    %c0_i32 = arith.constant 0 : i32
    %c0_i32_0 = arith.constant 0 : i32
    %c0_i32_1 = arith.constant 0 : i32
    return %c0_i32, %c0_i32_0 : i32, i32
  }
  func.func @transform_3(%arg0: i32) -> (i32, i32, i32) {
    %c0_i32 = arith.constant 0 : i32
    %c0_i32_0 = arith.constant 0 : i32
    %c0_i32_1 = arith.constant 0 : i32
    return %arg0, %c0_i32, %c0_i32_0 : i32, i32, i32
  }
  func.func @transform_4(%arg0: i32) -> (i32, i32) {
    %c0_i32 = arith.constant 0 : i32
    %c0_i32_0 = arith.constant 0 : i32
    %c0_i32_1 = arith.constant 0 : i32
    return %c0_i32, %c0_i32_0 : i32, i32
  }
  func.func @transform_5(%arg0: i32) -> (i32, i32) {
    %c0_i32 = arith.constant 0 : i32
    %c0_i32_0 = arith.constant 0 : i32
    %c0_i32_1 = arith.constant 0 : i32
    return %c0_i32, %c0_i32_0 : i32, i32
  }
}

</mosaic_0001>

<sc_bundles>
// kernel: sparse-core-data-format-call.cloned.1.call-start
scs
called_computation_lowered:
.L_overlay_start_0:
0x0: {  	s2 =	sld [smem:$0x3FD9]  }
0x1: {  	s3 =	sld [smem:$0x3FFE];
	_ =	sdelay $0x1  }
0x2: {  	s1 =	srdreg.scid  }
0x3: {  	s0 =	sand.u32 $0x1, s1  }
0x4: {  	s18 =	sshll.u32 s0, $0xA;
	s2 =	sadd.s32 s3, s2  }
0x5: {  	s2 =	sadd.s32 s2, s18  }
0x6: {  	[smem:$0x3FC3] =	sst s2  }
0x7: {  	_ = 	snop  }
0x8: {  	s2 =	sld [smem:$0x3FC9];
	(tm) =	ssettm $0x1  }
0x9: {  	s19 =	sld [smem:$0x3FFB];
	_ =	sdelay $0x3  }
0xa: {  	_ =	strace s19  }
0xb: {  	s3 =	sld [smem:$0x3FFC];
	_ =	sdelay $0x3  }
0xc: {  	_ =	strace s3  }
0xd: {  	s3 =	sld [smem:$0x3FFD];
	_ =	sdelay $0x3  }
0xe: {  	_ =	strace s3  }
0xf: {  	_ =	strace $0x8FFFFFFF  }
0x10: {  	s20 =	sld [smem:$0x3FDB];
	_ =	sdelay $0x1  }
0x11: {  	s4 =	simm.s32 $_scs_section_size  }
0x12: {  	s5 =	simm.s32 $_size__tile_overlayer_lowered;
	s6 =	simm.s32 $_tile_overlayer_lowered  }
0x13: {  	s23 =	simm.s32 $0x1BFF;
	s22 =	sshll.u32 s6, $0x1;
	s3 =	sadd.s32 s4, s20  }
0x14: {  	s7 =	simm.s32 $0x0;
	s21 =	sshll.u32 s5, $0x1;
	s5 =	sadd.s32 s22, s3  }
0x15: {  	[timem:s7], [sflag:s23] =	dma.local [hbm:s5], s21  }
0x16: {  	_ =	swait.ge [sflag:s23], s21  }
0x17: {  	s4 =	ssub.s32 $0x0, s21;
	[sflag:s23] =	ssyncset.done $0x0  }
0x18: {  	[sflag:s23] =	ssyncadd.s32 s4;
	_ =	sdelay $0x1  }
0x19: {  	s24 =	simm.s32 $0x1B8B  }
0x1a: {  	_ =	swait.ge [sflag:s24], $0x1  }
0x1b: {  	[sflag:s24] =	ssyncset.done $0x0  }
0x1c: {  	s26 =	simm.s32 $0x1B8E;
	s25 =	sld [smem:$0x3FFE];
	[sflag:s24] =	ssyncadd.s32 $0xFFFFFFFF  }
0x1d: {  	s27 =	simm.s32 $execute0_lowered;
	[smem:$0x3FD2] =	sst s26  }
0x1e: {  	s5 =	sshll.u32 s27, $0x1;
	_ =	strace $0x80000046;
	[dreg:$0x1] =	wrdreg $0xFFFFFFFF  }
0x1f: {  	s28 =	simm.s32 $_size_execute0_lowered;
	s3 =	sadd.s32 s3, s5;
	[dreg:$0x0] =	wrdreg $0x0  }
0x20: {  	s5 =	sshll.u32 s28, $0x1;
	[dreg:$0x2] =	wrdreg s3  }
0x21: {  	[dreg:$0x3] =	wrdreg s5  }
0x22: {  	[dreg:$0x4] =	wrdreg $0xC0  }
0x23: {  	_ =	task [dreg:s7], $0x5FFFF  }
0x24: {  	[dreg:$0x1] =	wrdreg $0xFFFFFFFF  }
0x25: {  	[dreg:$0x0] =	wrdreg $0x60  }
0x26: {  	[dreg:$0x2] =	wrdreg s2  }
0x27: {  	[dreg:$0x3] =	wrdreg s25  }
0x28: {  	[dreg:$0x4] =	wrdreg $0x9  }
0x29: {  	_ =	task.clear_ibuf [dreg:s7], $0x5FFFF;
	_ =	strace $0x90000046  }
0x2a: {  	s29 =	simm.s32 $0x9;
	_ =	strace $0x80000048  }
0x2b: {  	_ =	swait.ge [sflag:s29], $0x1  }
0x2c: {  	[sflag:s29] =	ssyncadd.s32 $0xFFFFFFFF  }
0x2d: {  	_ =	strace $0x90000048  }
0x2e: {  	_ =	sfence  }
0x2f: {  	s30 =	sld [smem:$0x0];
	_ =	sdelay $0x2  }
0x30: {  	s31 =	sshll.u32 s1, $0xD;
	s1 =	sshrl.u32 s1, $0x2  }
0x31: {  	s3 =	sand.u32 $0x4000, s31;
	s1 =	sadd.s32 s1, s30  }
0x32: {  	s0 =	sor.u32 s3, s0;
	s1 =	sshll.u32 s1, $0x11  }
0x33: {  	s0 =	sor.u32 s1, s0  }
0x34: {  	s0 =	sadd.s32 $0x8F2B, s0  }
0x35: {  	[sflag:s0] =	ssyncadd.remote.s32 $0x1  }
0x36: {  	_ =	sfence.sel $0xFFFF  }
0x37: {  	[dreg:$0x0] =	wrdreg $0xFFFFFFFF;
	(pc) =	sbr.abs _section_cstart, $3  }
0x38: {  	[dreg:$0x1] =	wrdreg $0xFFFFFFFF  }
0x39: {  	_ =	task.clear_ibuf [dreg:s7], $0x2FFFF;
	_ =	strace $0x9FFFFFFF  }
0x3a: {  	(tm) =	ssettm $0x7FFFFFFF  }
0x3b: {  	_ =	shalt  }
tec
execute0_lowered:
.L_overlay_start_1:
0x0: {  	(tag) =	ssettag $0x1  }
0x1: {  	s2 =	rddreg [dreg:$0x0]  }
0x2: {  	s1 =	rddreg [dreg:$0x1]  }
0x3: {  	s0 =	rddreg [dreg:$0x2];
	s4 =	srdreg.scid  }
0x4: {  	_ =	strace $0x80000047;
	s7 =	simm.s32 $0x2;
	s13 =	simm.s32 $0x0  }
0x5: {  	p0 =	por $0x0, $0x0;
	s14 =	simm.s32 $0x0;
	s16 =	simm.s32 $0x0  }
0x6: {  	s15 =	simm.s32 $0x0;
	s9 =	simm.s32 $0x0;
	s10 =	simm.s32 $0x0  }
.Ltmp0:
0x7: {  	s3 =	sadd.s32 $0xC00, s1;
	s4 =	sshll.u32 s4, $0x4;
	(pc) =	sbr.rel .LBB1_1-.Ltmp0, $4  }
0x8: {  	s1 =	stileid.u32;
	s5 =	sand.u32 $0x10, s4;
	s4 =	simm.s32 $0x1  }
0x9: {  	s8 =	simm.s32 $0x0;
	s6 =	sor.u32 s1, s5;
	[sflag:s4] =	ssyncpa.u1 $0x0  }
0xa: {  	s5 =	sand.u32 $0x7, s1;
	s6 =	sshrl.u32 s6, $0x3;
	[sflag:s7] =	ssyncpa.u1 $0x0  }
0xb: {  	s7 =	simm.s32 $0x2000;
	s12 =	smov.u32 s5;
	s11 =	smov.u32 s6  }
.LBB1_5:
0xc: {  	s17 =	sadd.s32 $0x80, s9  }
0xd: {  	s13 =	sadd.s32 $0x80, s10;
	s18 =	smov.u32 s10;
	p2 =	sgt.s32 s17, $0x3FF  }
0xe: {  	s18 =	smov.u32 @p2 s13  }
0xf: {  	s19 =	smov.u32 s11;
	s13 =	sadd.s32 $0x4, s11;
	p3 =	sgt.s32 s18, $0xFF  }
0x10: {  	s19 =	smov.u32 @p3 s13  }
0x11: {  	s20 =	smov.u32 s12;
	s13 =	sadd.s32 $0x8, s12;
	p4 =	sgt.s32 s19, $0x7  }
0x12: {  	p1 =	slt.u32 s8, $0x2;
	s20 =	smov.u32 @p4 s13  }
0x13: {  	s8 =	sadd.s32 $0x1, s8;
	s17 =	simm.s32 @p2 $0x0;
	p2 =	sgt.s32 s20, $0x7  }
0x14: {  	s21 =	simm.s32 @!p1 $0x2;
	s20 =	smov.u32 @p2 s5;
	p2 =	sne.s32 s8, $0x22  }
.Ltmp1:
0x15: {  	s14 =	smov.u32 s10;
	_ =	swait.ge @!p1 [sflag:s21], $0x4000;
	(pc) =	sbr.rel @!p2 .LBB1_6-.Ltmp1, $4  }
0x16: {  	s16 =	smov.u32 s11;
	s15 =	smov.u32 s12;
	[sflag:s21] =	ssyncset.done @!p1 $0x0  }
0x17: {  	p0 =	por !p0, !p0;
	s18 =	simm.s32 @p3 $0x0;
	[sflag:s21] =	ssyncadd.s32 @!p1 $0xFFFFC000  }
0x18: {  	s10 =	smov.u32 s18;
	s19 =	smov.u32 @p4 s6;
	s13 =	smov.u32 s9  }
0x19: {  	s9 =	smov.u32 s17;
	s11 =	smov.u32 s19;
	s12 =	smov.u32 s20  }
.LBB1_1:
0x1a: {  	p1 =	sgt.u32 s8, $0x1F  }
0x1b: {  	s17 =	sxor.u32 @!p1 $0xFFFFFFFF, s8;
	s18 =	sshll.u32 @!p1 s10, $0x7;
	s19 =	sand.u32 @!p1 $0x78, s9  }
0x1c: {  	s21 =	sshll.u32 @!p1 s11, $0xF;
	s17 =	sshll.u32 @!p1 s17, $0xE;
	s20 =	sand.u32 @!p1 $0x380, s18  }
0x1d: {  	s18 =	sand.u32 @!p1 $0x7C00, s18;
	s19 =	sor.u32 @!p1 s19, s20;
	s20 =	sshll.u32 @!p1 s12, $0x12  }
0x1e: {  	s17 =	sand.u32 @!p1 $0x4000, s17;
	s18 =	sadd.s32 @!p1 s9, s18;
	s20 =	sadd.s32 @!p1 s2, s20  }
0x1f: {  	s19 =	sshrl.u32 @!p1 s19, $0x3;
	s20 =	sadd.s32 @!p1 s21, s20;
	s21 =	sand.u32 @!p1 $0x7, s9  }
0x20: {  	s18 =	sand.u32 @!p1 $0x7F80, s18;
	s19 =	sadd.s32 @!p1 s19, s20;
	s20 =	sshll.u32 @!p1 s21, $0x12  }
0x21: {  	s18 =	sadd.s32 @!p1 s18, s19;
	s19 =	sor.u32 @!p1 $0x400, s20;
	s20 =	simm.s32 @!p1 $0x2000  }
0x22: {  	[tilespmem:s17], [sflag:$0x1] =	stream.strided.gather @!p1 [hbm4b:s18+s19], $0x4000, s20, s19, $0x38;
	[tilespmem:$0x10000] =	vst v63  }
0x23: {  	p1 =	seq.s32 s8, $0x0  }
0x24: {  	p2 =	seq.s32 @!p1 s8, $0x21  }
0x25: {  	p1 =	por p1, p2  }
.Ltmp2:
0x26: {  	_ = 	snop;
	(pc) =	sbr.rel @p1 .LBB1_5-.Ltmp2, $1  }
0x27: {  	_ =	sdelay $0x3  }
0x28: {  	s17 =	simm.s32 $0x1  }
0x29: {  	s17 =	simm.s32 @!p0 $0x0  }
0x2a: {  	s17 =	sshll.u32 s17, $0xE  }
0x2b: {  	s18 =	sor.u32 $0x40, s17  }
0x2c: {  	v1 =	vmov s18;
	_ =	sdelay $0x1  }
0x2d: {  	_ =	swait.ge [sflag:s4], $0x4000  }
0x2e: {  	[sflag:s4] =	ssyncset.done $0x0  }
0x2f: {  	s19 =	simm.s32 $0x0;
	[sflag:s4] =	ssyncadd.s32 $0xFFFFC000  }
0x30: {  	s17 =	sor.u32 $0x8070, s17;
	v7 =	vld.idx.msk [tilespmem:v1+s19+$0x30 ss:$0x1], $0xffff  }
0x31: {  	v0 =	vmov s17;
	v8 =	vld.idx.msk [tilespmem:v1+s19+$0xFFFFFFC0 ss:$0x1], $0xffff  }
0x32: {  	v6 =	vld.idx.msk [tilespmem:v1+s19+$0xFFFFFFD0 ss:$0x1], $0xffff  }
0x33: {  	v4 =	vld.idx.msk [tilespmem:v1+s19+$0xFFFFFFE0 ss:$0x1], $0xffff  }
0x34: {  	v2 =	vld.idx.msk [tilespmem:v1+s19+$0xFFFFFFF0 ss:$0x1], $0xffff  }
0x35: {  	s31 =	sshll.u32 s8, $0xE;
	v3 =	vld.idx.msk [tilespmem:v1+s19+$0x0 ss:$0x1], $0xffff  }
0x36: {  	s17 =	sand.u32 $0x4000, s31;
	v5 =	vld.idx.msk [tilespmem:v1+s19+$0x10 ss:$0x1], $0xffff;
	[tilespmem:v0+s19+$0x0 ss:$0x1] =	vst.idx.msk $0xffff, v7  }
0x37: {  	s20 =	simm.s32 $0x400;
	s18 =	simm.s32 $0x80;
	s17 =	sor.u32 $0x8000, s17;
	[tilespmem:v0+s19+$0xFFFFFF90 ss:$0x1] =	vst.idx.msk $0xffff, v8;
	v7 =	vld.idx.msk [tilespmem:v1+s19+$0x20 ss:$0x1], $0xffff  }
.LBB1_3:
0x38: {  	p1 =	sne.s32 s20, $0xFE00;
	v8 =	vld.idx.msk [tilespmem:v1+s18+$0x30 ss:$0x1], $0xffff;
	[tilespmem:v0+s19+$0xFFFFFFA0 ss:$0x1] =	vst.idx.msk $0xffff, v6  }
0x39: {  	v9 =	vld.idx.msk [tilespmem:v1+s18+$0xFFFFFFC0 ss:$0x1], $0xffff;
	[tilespmem:v0+s19+$0xFFFFFFB0 ss:$0x1] =	vst.idx.msk $0xffff, v4  }
0x3a: {  	v6 =	vld.idx.msk [tilespmem:v1+s18+$0xFFFFFFD0 ss:$0x1], $0xffff;
	[tilespmem:v0+s19+$0xFFFFFFC0 ss:$0x1] =	vst.idx.msk $0xffff, v2  }
.Ltmp3:
0x3b: {  	v4 =	vld.idx.msk [tilespmem:v1+s18+$0xFFFFFFE0 ss:$0x1], $0xffff;
	[tilespmem:v0+s19+$0xFFFFFFD0 ss:$0x1] =	vst.idx.msk $0xffff, v3;
	(pc) =	sbr.rel @p1 .LBB1_3-.Ltmp3, $4  }
0x3c: {  	v2 =	vld.idx.msk [tilespmem:v1+s18+$0xFFFFFFF0 ss:$0x1], $0xffff;
	[tilespmem:v0+s19+$0xFFFFFFE0 ss:$0x1] =	vst.idx.msk $0xffff, v5  }
0x3d: {  	v3 =	vld.idx.msk [tilespmem:v1+s18+$0x0 ss:$0x1], $0xffff;
	[tilespmem:v0+s19+$0xFFFFFFF0 ss:$0x1] =	vst.idx.msk $0xffff, v7;
	s19 =	smov.u32 s18  }
0x3e: {  	v5 =	vld.idx.msk [tilespmem:v1+s19+$0x10 ss:$0x1], $0xffff;
	[tilespmem:v0+s19+$0x0 ss:$0x1] =	vst.idx.msk $0xffff, v8  }
0x3f: {  	s18 =	sshra.s32 s20, $0x2;
	s20 =	sadd.s32 $0x200, s20;
	[tilespmem:v0+s19+$0xFFFFFF90 ss:$0x1] =	vst.idx.msk $0xffff, v9;
	v7 =	vld.idx.msk [tilespmem:v1+s19+$0x20 ss:$0x1], $0xffff  }
0x40: {  	_ =	sdelay $0x3  }
0x41: {  	[tilespmem:v0+s19+$0xFFFFFFA0 ss:$0x1] =	vst.idx.msk $0xffff, v6  }
0x42: {  	v56 =	vld.idx.msk [tilespmem:v1+s18+$0x30 ss:$0x1], $0xffff;
	[tilespmem:v0+s19+$0xFFFFFFB0 ss:$0x1] =	vst.idx.msk $0xffff, v4  }
0x43: {  	v57 =	vld.idx.msk [tilespmem:v1+s18+$0xFFFFFFC0 ss:$0x1], $0xffff;
	[tilespmem:v0+s19+$0xFFFFFFC0 ss:$0x1] =	vst.idx.msk $0xffff, v2  }
0x44: {  	v58 =	vld.idx.msk [tilespmem:v1+s18+$0xFFFFFFD0 ss:$0x1], $0xffff;
	[tilespmem:v0+s19+$0xFFFFFFD0 ss:$0x1] =	vst.idx.msk $0xffff, v3  }
0x45: {  	v59 =	vld.idx.msk [tilespmem:v1+s18+$0xFFFFFFE0 ss:$0x1], $0xffff;
	[tilespmem:v0+s19+$0xFFFFFFE0 ss:$0x1] =	vst.idx.msk $0xffff, v5  }
0x46: {  	v60 =	vld.idx.msk [tilespmem:v1+s18+$0xFFFFFFF0 ss:$0x1], $0xffff;
	[tilespmem:v0+s19+$0xFFFFFFF0 ss:$0x1] =	vst.idx.msk $0xffff, v7  }
0x47: {  	v61 =	vld.idx.msk [tilespmem:v1+s18+$0x0 ss:$0x1], $0xffff;
	[tilespmem:v0+s18+$0x0 ss:$0x1] =	vst.idx.msk $0xffff, v56  }
0x48: {  	v62 =	vld.idx.msk [tilespmem:v1+s18+$0x10 ss:$0x1], $0xffff;
	[tilespmem:v0+s18+$0xFFFFFF90 ss:$0x1] =	vst.idx.msk $0xffff, v57  }
0x49: {  	v63 =	vld.idx.msk [tilespmem:v1+s18+$0x20 ss:$0x1], $0xffff;
	s16 =	sshll.u32 s16, $0x7;
	s28 =	sand.u32 $0x78, s13;
	[tilespmem:v0+s18+$0xFFFFFFA0 ss:$0x1] =	vst.idx.msk $0xffff, v58  }
0x4a: {  	s15 =	sshll.u32 s15, $0x12;
	s14 =	sshll.u32 s14, $0xA;
	s29 =	sand.u32 $0x380, s13;
	[tilespmem:v0+s18+$0xFFFFFFB0 ss:$0x1] =	vst.idx.msk $0xffff, v59  }
.Ltmp4:
0x4b: {  	s16 =	sand.u32 $0x380, s16;
	s15 =	sadd.s32 s3, s15;
	[tilespmem:v0+s18+$0xFFFFFFC0 ss:$0x1] =	vst.idx.msk $0xffff, v60;
	(pc) =	sbr.rel .LBB1_5-.Ltmp4, $4  }
0x4c: {  	s30 =	sand.u32 $0x7, s13;
	s16 =	sor.u32 s16, s28;
	s14 =	sadd.s32 s14, s15;
	[tilespmem:v0+s18+$0xFFFFFFD0 ss:$0x1] =	vst.idx.msk $0xffff, v61  }
0x4d: {  	s13 =	sshll.u32 s30, $0x12;
	s31 =	sshrl.u32 s16, $0x3;
	s14 =	sadd.s32 s29, s14;
	[tilespmem:v0+s18+$0xFFFFFFE0 ss:$0x1] =	vst.idx.msk $0xffff, v62  }
0x4e: {  	s13 =	sor.u32 $0x80, s13;
	s14 =	sadd.s32 s31, s14;
	[tilespmem:v0+s18+$0xFFFFFFF0 ss:$0x1] =	vst.idx.msk $0xffff, v63  }
0x4f: {  	[hbm4b:s14+s13] =	stream.strided.scatter [tilespmem:s17], [sflag:$0x2], $0x4000, s7, s13, $0x38;
	[tilespmem:$0x10000] =	vst v63  }
.LBB1_6:
0x50: {  	_ =	sfence.sel $0x180000  }
0x51: {  	s2 =	simm.s32 $0x1;
	[bflag:$0x0] =	sbarrier.arrive $0xFFFF  }
0x52: {  	s31 =	simm.s32 $0x2;
	[sflag:s2] =	ssyncpa.u1 $0x1  }
0x53: {  	[sflag:s31] =	ssyncpa.u1 $0x1  }
0x54: {  	p0 =	sne.s32 s1, $0x0;
	_ =	strace $0x90000047  }
0x55: {  	s0 =	sadd.s32 @!p0 $0x100000, s0;
	[bflag:$0x2] =	sbarrier.arrive $0xFFFF  }
0x56: {  	[sflag:s0] =	ssyncadd.tile.s32 @!p0 $0x1;
	_ =	shalt  }
.Lfunc_end1:
_tile_overlayer_lowered:
.L_overlay_start_2:
0x57: {  	(tag) =	ssettag $0x2  }
0x58: {  	s0 =	rddreg [dreg:$0x0];
	s2 =	stileid.u32  }
0x59: {  	s1 =	rddreg [dreg:$0x1];
	p0 =	sne.s32 s2, $0x0  }
0x5a: {  	s3 =	rddreg [dreg:$0x2];
	[bflag:$0x3] =	sbarrier.arrive $0xFFFF;
	s2 =	simm.s32 @!p0 $0x1C01  }
0x5b: {  	[timem:s3], [sflag:s2] =	dma.local @!p0 [hbm:s0], s1  }
0x5c: {  	s0 =	simm.s32 @!p0 $0x1  }
0x5d: {  	_ =	swait.ge @!p0 [sflag:s0], s1  }
0x5e: {  	s1 =	ssub.s32 @!p0 $0x0, s1;
	[sflag:s0] =	ssyncset.done @!p0 $0x0  }
0x5f: {  	[sflag:s0] =	ssyncadd.s32 @!p0 s1  }
0x60: {  	[bflag:$0x3] =	sbarrier.arrive $0xFFFF  }
0x61: {  	_ =	shalt  }

</sc_bundles>
